<compile_context>
chip_gen: v7x
topology: tpu7x:2x2x1
jax: 0.10.2.dev20260603
libtpu: 0.0.44.dev20260713+nightly
codegen_flags: <defaults>
</compile_context>

<pallas_src>
import functools

import jax
import jax.numpy as jnp
from jax import lax
from jax.experimental import pallas as pl
from jax.experimental.pallas import tpu as pltpu
from jax.experimental.pallas import tpu_sc as plsc

_B = 128
_D = 256
_SLOTS = 7
_SLOTS_PAD = 8
_ROWS = _B * _SLOTS
_NW = 16
_RPW = _ROWS // _NW
_H = 64
_W = 64
_BCHUNK = 8
_NDMA = _B // _BCHUNK
_NSEM = 8
_TWO_PI = 6.283185307179586


def _sc_gather(table, idx):
    mesh = plsc.VectorSubcoreMesh(core_axis_name="c", subcore_axis_name="s",
                                  num_cores=1, num_subcores=16)

    @functools.partial(
        pl.kernel,
        out_type=jax.ShapeDtypeStruct((_ROWS, _D), jnp.float32),
        mesh=mesh,
        scratch_types=[
            pltpu.VMEM((_RPW,), jnp.int32),
            pltpu.VMEM((_RPW, _D), jnp.float32),
            pltpu.SemaphoreType.DMA,
        ],
    )
    def k(table_hbm, idx_hbm, out_hbm, idx_v, rows_v, sem):
        wid = lax.axis_index("s")
        base = wid * _RPW
        pltpu.sync_copy(idx_hbm.at[pl.ds(base, _RPW)], idx_v)
        pltpu.async_copy(table_hbm.at[idx_v], rows_v, sem).wait()
        pltpu.sync_copy(rows_v, out_hbm.at[pl.ds(base, _RPW)])

    return k(table, idx)


def _dense_body(row_ref, dense_ref, plane, sem):
    x = row_ref[...][None, None, :, :]
    plane[...] = jnp.broadcast_to(x, (_BCHUNK, _H, _W, _D))
    for i in range(_NDMA):
        pltpu.make_async_copy(
            plane, dense_ref.at[pl.ds(i * _BCHUNK, _BCHUNK)],
            sem.at[i % _NSEM]).start()
    for i in range(_NDMA):
        pltpu.make_async_copy(
            plane, dense_ref.at[pl.ds(i * _BCHUNK, _BCHUNK)],
            sem.at[i % _NSEM]).wait()


def _dense_embed(row):
    return pl.pallas_call(
        _dense_body,
        out_shape=jax.ShapeDtypeStruct((_B, _H, _W, _D), jnp.float32),
        in_specs=[pl.BlockSpec(memory_space=pltpu.MemorySpace.VMEM)],
        out_specs=pl.BlockSpec(memory_space=pl.ANY),
        scratch_shapes=[
            pltpu.VMEM((_BCHUNK, _H, _W, _D), jnp.float32),
            pltpu.SemaphoreType.DMA((_NSEM,)),
        ],
    )(row)


def _pts_body(gat_ref, lab_ref, coords_ref, gauss_ref,
              pts_ref, pad_ref, al_ref):
    c = coords_ref[...] * (1.0 / 512.0) - 1.0
    g0 = gauss_ref[0:1, :][None, :, :]
    g1 = gauss_ref[1:2, :][None, :, :]
    t = (c[:, :, 0:1] * g0 + c[:, :, 1:2] * g1) * _TWO_PI
    pos = jnp.concatenate([jnp.sin(t), jnp.cos(t)], axis=-1)
    pts_ref[0:2, :, :] = gat_ref[0:2, :, :] + pos
    pts_ref[2:_SLOTS, :, :] = gat_ref[2:_SLOTS, :, :]
    pad_ref[...] = jnp.zeros((_SLOTS, _B), jnp.float32)
    al_ref[...] = lab_ref[...]


def _pts_embed(gathered_sb, labels_sb, coords_sb, pe_gauss):
    return pl.pallas_call(
        _pts_body,
        out_shape=(
            jax.ShapeDtypeStruct((_SLOTS, _B, _D), jnp.float32),
            jax.ShapeDtypeStruct((_SLOTS, _B), jnp.float32),
            jax.ShapeDtypeStruct((_SLOTS, _B), jnp.int32),
        ),
    )(gathered_sb, labels_sb, coords_sb, pe_gauss)


def kernel(points, point_labels, boxes, box_labels, label_table, pe_gauss):
    idx = jnp.concatenate(
        [point_labels[:, 0], box_labels[:, 0, 0],
         jnp.repeat(jnp.arange(6, 11, dtype=jnp.int32), _B)])
    labels_sb = idx.reshape(_SLOTS, _B)
    coords_sb = jnp.stack(
        [points[:, 0, :], boxes[:, 0, 0, :]], axis=0)

    gathered = _sc_gather(label_table, idx)
    gathered_sb = gathered.reshape(_SLOTS, _B, _D)

    dense = _dense_embed(label_table[0:1, :])
    dense = jnp.transpose(dense, (0, 3, 1, 2))

    pts, pad_t, al_t = _pts_embed(gathered_sb, labels_sb, coords_sb,
                                  pe_gauss)
    pts = jnp.transpose(pts, (1, 0, 2))
    pad = jnp.transpose(pad_t, (1, 0))
    al = jnp.transpose(al_t, (1, 0))
    ac = jnp.concatenate(
        [jnp.transpose(coords_sb, (1, 0, 2)),
         jnp.zeros((_B, _SLOTS - 2, 2), jnp.float32)], axis=1)
    return pts, dense, pad, ac, al

# --- scband reference (transcript-rebuilt; emitter-appended) ---
"""Pipeline reference for scband-samprompt-encoder-20796231647501 (READ-ONLY COPY).

The authoritative reference and input builder live on the scoring server;
editing this copy changes nothing except your own understanding.
"""

import jax, jax.numpy as jnp
import numpy as np

B = 128
EMBED_DIM = 256
NUM_LABELS = 11
IMG_H, IMG_W = 1024.0, 1024.0
H_EMB, W_EMB = 64, 64
N_PROMPT_SLOTS = 2
N_OUTPUT_TOKENS = 5
NOT_A_POINT = 5
NON_INIT_MASK_EMBED = 0
OUTPUT_TOKEN_LABELS = np.array([6, 7, 8, 9, 10], dtype=np.int32)  # MASK_OUT..IOU_OUT


def setup_inputs(seed: int = 0):
    key = jax.random.key(seed)
    ks = jax.random.split(key, 6)
    points = jax.random.uniform(ks[0], (B, 1, 2), dtype=jnp.float32) * 1024.0
    point_labels = jax.random.randint(ks[1], (B, 1), 0, 6, dtype=jnp.int32)
    boxes = jax.random.uniform(ks[2], (B, 1, 2, 2), dtype=jnp.float32) * 1024.0
    box_labels = jax.random.randint(ks[3], (B, 1, 2), 0, 6, dtype=jnp.int32)
    # learned params
    label_table = jax.random.normal(ks[4], (NUM_LABELS, EMBED_DIM), dtype=jnp.float32)
    pe_gauss = jax.random.normal(ks[5], (2, EMBED_DIM // 2), dtype=jnp.float32)  # PositionEmbeddingRandom gaussian matrix
    return {"points": points, "point_labels": point_labels, "boxes": boxes,
            "box_labels": box_labels, "label_table": label_table, "pe_gauss": pe_gauss}


def _pe_encode_coords(coords, pe_gauss):
    # PositionEmbeddingRandom.forward_with_coords
    c = coords / jnp.array([IMG_W, IMG_H], dtype=coords.dtype)
    c = 2.0 * c - 1.0
    c = c @ pe_gauss
    c = 2.0 * np.pi * c
    return jnp.concatenate([jnp.sin(c), jnp.cos(c)], axis=-1)


def reference(points, point_labels, boxes, box_labels, label_table, pe_gauss):
    b = points.shape[0]
    # both points and boxes provided -> third branch of encode_points_and_boxes
    padded_coords = jnp.zeros((b, N_PROMPT_SLOTS, 2), dtype=jnp.float32)
    padded_coords = padded_coords.at[:, 0, :].set(points[:, 0, :])
    padded_coords = padded_coords.at[:, 1, :].set(boxes[:, 0, 0, :])
    padded_labels = jnp.full((b, N_PROMPT_SLOTS), NOT_A_POINT, dtype=jnp.int32)
    padded_labels = padded_labels.at[:, 0].set(point_labels[:, 0])
    padded_labels = padded_labels.at[:, 1].set(box_labels[:, 0, 0])
    padding_mask = jnp.ones((b, N_PROMPT_SLOTS), dtype=jnp.float32)
    padding_mask = padding_mask.at[:, 0].set(0.0).at[:, 1].set(0.0)

    out_labels = jnp.broadcast_to(jnp.asarray(OUTPUT_TOKEN_LABELS)[None, :], (b, N_OUTPUT_TOKENS))
    out_coords = jnp.zeros((b, N_OUTPUT_TOKENS, 2), dtype=jnp.float32)
    out_pad = jnp.zeros((b, N_OUTPUT_TOKENS), dtype=jnp.float32)

    all_coords = jnp.concatenate([padded_coords, out_coords], axis=1)
    all_labels = jnp.concatenate([padded_labels, out_labels], axis=1)
    all_padding = jnp.concatenate([padding_mask, out_pad], axis=1)

    label_embed = jnp.take(label_table, all_labels, axis=0)  # embedding lookup (B, 7, C)
    pos_embed = _pe_encode_coords(all_coords, pe_gauss)
    slot_mask = (jnp.arange(all_coords.shape[1]) < N_PROMPT_SLOTS).astype(pos_embed.dtype)[None, :, None]
    pos_embed = pos_embed * slot_mask  # pos_embed[:, 2:, :] = 0
    pts_embed = label_embed + pos_embed

    no_mask_embed = label_table[NON_INIT_MASK_EMBED]
    dense_embed = jnp.broadcast_to(no_mask_embed.reshape(1, EMBED_DIM, 1, 1), (b, EMBED_DIM, H_EMB, W_EMB))
    return pts_embed, dense_embed, all_padding, all_coords, all_labels

if __name__ == "__main__":
    import jax
    _d = setup_inputs()
    print(jax.jit(kernel)(*tuple(_d.values())))

</pallas_src>

<mosaic_0001>
#map = affine_map<(d0, d1) -> (0, 0)>
#map1 = affine_map<(d0, d1) -> (0)>
module attributes {stable_mosaic.version = 14 : i64} {
  func.func @k(%arg0: i32, %arg1: i32, %arg2: memref<11x256xf32, #tpu.memory_space<hbm>>, %arg3: memref<896xi32, #tpu.memory_space<hbm>>, %arg4: memref<896x256xf32, #tpu.memory_space<hbm>>, %arg5: memref<56xi32, #tpu.memory_space<vmem>>, %arg6: memref<56x256xf32, #tpu.memory_space<vmem>>, %arg7: memref<!tpu.dma_semaphore, #tpu.memory_space<semaphore_mem>>) attributes {dimension_semantics = [#tpu.dimension_semantics<core_parallel>, #tpu.dimension_semantics<subcore_parallel>], iteration_bounds = array<i64: 1, 16>, scalar_prefetch = 0 : i64, scratch_operands = 3 : i64, tpu.core_type = #tpu.core_type<sc_vector_subcore>, window_params = [{transform_indices = #map}, {transform_indices = #map1}, {transform_indices = #map}]} {
    %mul3A = arith.constant 56 : i32
    %mul3A_0 = arith.muli %arg1, %mul3A : i32
    "tpu.region"() ({
      %run_scoped3A = tpu.sem_alloc : memref<!tpu.dma_semaphore, #tpu.memory_space<semaphore_mem>>
      %dma_start3A_5 = tpu.memref_slice %arg3[%mul3A_0] : memref<896xi32, #tpu.memory_space<hbm>> -> memref<56xi32, #tpu.memory_space<hbm>>
      %dma_start3A_6 = tpu.memref_slice %arg3[%mul3A_0] : memref<896xi32, #tpu.memory_space<hbm>> -> memref<56xi32, #tpu.memory_space<hbm>>
      tpu.enqueue_dma source(%dma_start3A_6 : memref<56xi32, #tpu.memory_space<hbm>>) target(%arg5 : memref<56xi32, #tpu.memory_space<vmem>>) target_semaphore(%run_scoped3A : memref<!tpu.dma_semaphore, #tpu.memory_space<semaphore_mem>>)
      %dma_wait3A_7 = tpu.memref_slice %arg3[%mul3A_0] : memref<896xi32, #tpu.memory_space<hbm>> -> memref<56xi32, #tpu.memory_space<hbm>>
      %dma_wait3A_8 = tpu.memref_slice %arg3[%mul3A_0] : memref<896xi32, #tpu.memory_space<hbm>> -> memref<56xi32, #tpu.memory_space<hbm>>
      tpu.wait_dma2 semaphore(%run_scoped3A : memref<!tpu.dma_semaphore, #tpu.memory_space<semaphore_mem>>) src(%dma_wait3A_8 : memref<56xi32, #tpu.memory_space<hbm>>) dst(%arg5 : memref<56xi32, #tpu.memory_space<vmem>>)
      tpu.yield
    }) : () -> ()
    %dma_start3A = arith.constant 0 : i32
    %dma_start3A_1 = arith.constant 0 : i32
    %dma_start3A_2 = tpu.memref_slice %arg2[%dma_start3A, %dma_start3A_1] : memref<11x256xf32, #tpu.memory_space<hbm>> -> memref<11x256xf32, #tpu.memory_space<hbm>>
    tpu.enqueue_indirect_dma source(%dma_start3A_2 : memref<11x256xf32, #tpu.memory_space<hbm>>) target(%arg6 : memref<56x256xf32, #tpu.memory_space<vmem>>) offsets(%arg5 : memref<56xi32, #tpu.memory_space<vmem>>) semaphore(%arg7 : memref<!tpu.dma_semaphore, #tpu.memory_space<semaphore_mem>>)
    %dma_wait3A = arith.constant 0 : i32
    %dma_wait3A_3 = arith.constant 0 : i32
    %dma_wait3A_4 = tpu.memref_slice %arg2[%dma_wait3A, %dma_wait3A_3] : memref<11x256xf32, #tpu.memory_space<hbm>> -> memref<11x256xf32, #tpu.memory_space<hbm>>
    tpu.wait_indirect_dma semaphore(%arg7 : memref<!tpu.dma_semaphore, #tpu.memory_space<semaphore_mem>>) src(%dma_wait3A_4 : memref<11x256xf32, #tpu.memory_space<hbm>>) dst(%arg6 : memref<56x256xf32, #tpu.memory_space<vmem>>)
    "tpu.region"() ({
      %run_scoped3A = tpu.sem_alloc : memref<!tpu.dma_semaphore, #tpu.memory_space<semaphore_mem>>
      %dma_start3A_5 = arith.constant 0 : i32
      %dma_start3A_6 = tpu.memref_slice %arg4[%mul3A_0, %dma_start3A_5] : memref<896x256xf32, #tpu.memory_space<hbm>> -> memref<56x256xf32, #tpu.memory_space<hbm>>
      %dma_start3A_7 = arith.constant 0 : i32
      %dma_start3A_8 = tpu.memref_slice %arg4[%mul3A_0, %dma_start3A_7] : memref<896x256xf32, #tpu.memory_space<hbm>> -> memref<56x256xf32, #tpu.memory_space<hbm>>
      tpu.enqueue_dma source(%arg6 : memref<56x256xf32, #tpu.memory_space<vmem>>) target(%dma_start3A_8 : memref<56x256xf32, #tpu.memory_space<hbm>>) target_semaphore(%run_scoped3A : memref<!tpu.dma_semaphore, #tpu.memory_space<semaphore_mem>>)
      %dma_wait3A_9 = arith.constant 0 : i32
      %dma_wait3A_10 = tpu.memref_slice %arg4[%mul3A_0, %dma_wait3A_9] : memref<896x256xf32, #tpu.memory_space<hbm>> -> memref<56x256xf32, #tpu.memory_space<hbm>>
      %dma_wait3A_11 = arith.constant 0 : i32
      %dma_wait3A_12 = tpu.memref_slice %arg4[%mul3A_0, %dma_wait3A_11] : memref<896x256xf32, #tpu.memory_space<hbm>> -> memref<56x256xf32, #tpu.memory_space<hbm>>
      tpu.wait_dma2 semaphore(%run_scoped3A : memref<!tpu.dma_semaphore, #tpu.memory_space<semaphore_mem>>) src(%arg6 : memref<56x256xf32, #tpu.memory_space<vmem>>) dst(%dma_wait3A_12 : memref<56x256xf32, #tpu.memory_space<hbm>>)
      tpu.yield
    }) : () -> ()
    return
  }
}

module attributes {stable_mosaic.version = 14 : i64} {
  func.func @_pts_body(%arg0: memref<7x128x256xf32, #tpu.memory_space<vmem>>, %arg1: memref<7x128xi32, #tpu.memory_space<vmem>>, %arg2: memref<2x128x2xf32, #tpu.memory_space<vmem>>, %arg3: memref<2x128xf32, #tpu.memory_space<vmem>>, %arg4: memref<7x128x256xf32, #tpu.memory_space<vmem>>, %arg5: memref<7x128xf32, #tpu.memory_space<vmem>>, %arg6: memref<7x128xi32, #tpu.memory_space<vmem>>) attributes {dimension_semantics = [], scalar_prefetch = 0 : i64, scratch_operands = 0 : i64, tpu.core_type = #tpu.core_type<tc>} {
    %get3A = arith.constant 0 : index
    %get3A_0 = arith.constant 0 : index
    %get3A_1 = arith.constant 0 : index
    %get3A_2 = vector.load %arg2[%get3A, %get3A_0, %get3A_1] : memref<2x128x2xf32, #tpu.memory_space<vmem>>, vector<2x128x2xf32>
    %mul3A = arith.constant 0.001953125 : f32
    %mul3A_3 = vector.broadcast %mul3A : f32 to vector<2x128x2xf32>
    %mul3A_4 = arith.mulf %get3A_2, %mul3A_3 : vector<2x128x2xf32>
    %sub3A = arith.constant 1.000000e+00 : f32
    %sub3A_5 = vector.broadcast %sub3A : f32 to vector<2x128x2xf32>
    %sub3A_6 = arith.subf %mul3A_4, %sub3A_5 : vector<2x128x2xf32>
    %get3A_7 = arith.constant 0 : index
    %get3A_8 = arith.constant 0 : index
    %get3A_9 = vector.load %arg3[%get3A_7, %get3A_8] : memref<2x128xf32, #tpu.memory_space<vmem>>, vector<1x128xf32>
    %broadcast_in_dim3A = vector.shape_cast %get3A_9 : vector<1x128xf32> to vector<1x1x128xf32>
    %get3A_10 = arith.constant 1 : index
    %get3A_11 = arith.constant 0 : index
    %get3A_12 = vector.load %arg3[%get3A_10, %get3A_11] : memref<2x128xf32, #tpu.memory_space<vmem>>, vector<1x128xf32>
    %broadcast_in_dim3A_13 = vector.shape_cast %get3A_12 : vector<1x128xf32> to vector<1x1x128xf32>
    %slice3A = vector.extract_strided_slice %sub3A_6 {offsets = [0, 0, 0], sizes = [2, 128, 1], strides = [1, 1, 1]} : vector<2x128x2xf32> to vector<2x128x1xf32>
    %mul3A_14 = vector.broadcast %slice3A : vector<2x128x1xf32> to vector<2x128x128xf32>
    %mul3A_15 = vector.broadcast %broadcast_in_dim3A : vector<1x1x128xf32> to vector<2x128x128xf32>
    %mul3A_16 = arith.mulf %mul3A_14, %mul3A_15 : vector<2x128x128xf32>
    %slice3A_17 = vector.extract_strided_slice %sub3A_6 {offsets = [0, 0, 1], sizes = [2, 128, 1], strides = [1, 1, 1]} : vector<2x128x2xf32> to vector<2x128x1xf32>
    %mul3A_18 = vector.broadcast %slice3A_17 : vector<2x128x1xf32> to vector<2x128x128xf32>
    %mul3A_19 = vector.broadcast %broadcast_in_dim3A_13 : vector<1x1x128xf32> to vector<2x128x128xf32>
    %mul3A_20 = arith.mulf %mul3A_18, %mul3A_19 : vector<2x128x128xf32>
    %add3A = arith.addf %mul3A_16, %mul3A_20 : vector<2x128x128xf32>
    %mul3A_21 = arith.constant 6.28318548 : f32
    %mul3A_22 = vector.broadcast %mul3A_21 : f32 to vector<2x128x128xf32>
    %mul3A_23 = arith.mulf %add3A, %mul3A_22 : vector<2x128x128xf32>
    %sin3A = math.sin %mul3A_23 : vector<2x128x128xf32>
    %cos3A = math.cos %mul3A_23 : vector<2x128x128xf32>
    %concatenate3A = tpu.concatenate %sin3A, %cos3A in 2 : vector<2x128x128xf32>, vector<2x128x128xf32> -> vector<2x128x256xf32>
    %get3A_24 = arith.constant 0 : index
    %get3A_25 = arith.constant 0 : index
    %get3A_26 = arith.constant 0 : index
    %get3A_27 = vector.load %arg0[%get3A_24, %get3A_25, %get3A_26] : memref<7x128x256xf32, #tpu.memory_space<vmem>>, vector<2x128x256xf32>
    %add3A_28 = arith.addf %get3A_27, %concatenate3A : vector<2x128x256xf32>
    %swap3A = arith.constant 0 : index
    %swap3A_29 = arith.constant 0 : index
    %swap3A_30 = arith.constant 0 : index
    %swap3A_31 = vector.load %arg4[%swap3A, %swap3A_29, %swap3A_30] : memref<7x128x256xf32, #tpu.memory_space<vmem>>, vector<2x128x256xf32>
    tpu.vector_store %arg4[%swap3A, %swap3A_29, %swap3A_30], %add3A_28 {strides = array<i32>} : memref<7x128x256xf32, #tpu.memory_space<vmem>>, vector<2x128x256xf32>,
    %get3A_32 = arith.constant 2 : index
    %get3A_33 = arith.constant 0 : index
    %get3A_34 = arith.constant 0 : index
    %get3A_35 = vector.load %arg0[%get3A_32, %get3A_33, %get3A_34] : memref<7x128x256xf32, #tpu.memory_space<vmem>>, vector<5x128x256xf32>
    %swap3A_36 = arith.constant 2 : index
    %swap3A_37 = arith.constant 0 : index
    %swap3A_38 = arith.constant 0 : index
    %swap3A_39 = vector.load %arg4[%swap3A_36, %swap3A_37, %swap3A_38] : memref<7x128x256xf32, #tpu.memory_space<vmem>>, vector<5x128x256xf32>
    tpu.vector_store %arg4[%swap3A_36, %swap3A_37, %swap3A_38], %get3A_35 {strides = array<i32>} : memref<7x128x256xf32, #tpu.memory_space<vmem>>, vector<5x128x256xf32>,
    %broadcast_in_dim3A_40 = arith.constant 0.000000e+00 : f32
    %broadcast_in_dim3A_41 = vector.broadcast %broadcast_in_dim3A_40 : f32 to vector<7x128xf32>
    %swap3A_42 = arith.constant 0 : index
    %swap3A_43 = arith.constant 0 : index
    %swap3A_44 = vector.load %arg5[%swap3A_42, %swap3A_43] : memref<7x128xf32, #tpu.memory_space<vmem>>, vector<7x128xf32>
    tpu.vector_store %arg5[%swap3A_42, %swap3A_43], %broadcast_in_dim3A_41 {strides = array<i32>} : memref<7x128xf32, #tpu.memory_space<vmem>>, vector<7x128xf32>,
    %get3A_45 = arith.constant 0 : index
    %get3A_46 = arith.constant 0 : index
    %get3A_47 = vector.load %arg1[%get3A_45, %get3A_46] : memref<7x128xi32, #tpu.memory_space<vmem>>, vector<7x128xi32>
    %swap3A_48 = arith.constant 0 : index
    %swap3A_49 = arith.constant 0 : index
    %swap3A_50 = vector.load %arg6[%swap3A_48, %swap3A_49] : memref<7x128xi32, #tpu.memory_space<vmem>>, vector<7x128xi32>
    tpu.vector_store %arg6[%swap3A_48, %swap3A_49], %get3A_47 {strides = array<i32>} : memref<7x128xi32, #tpu.memory_space<vmem>>, vector<7x128xi32>,
    return
  }
}

module attributes {stable_mosaic.version = 14 : i64} {
  func.func @_dense_body(%arg0: memref<1x256xf32, #tpu.memory_space<vmem>>, %arg1: memref<128x64x64x256xf32, #tpu.memory_space<any>>, %arg2: memref<8x64x64x256xf32, #tpu.memory_space<vmem>>, %arg3: memref<8x!tpu.dma_semaphore, #tpu.memory_space<semaphore_mem>>) attributes {dimension_semantics = [], scalar_prefetch = 0 : i64, scratch_operands = 2 : i64, tpu.core_type = #tpu.core_type<tc>} {
    %get3A = arith.constant 0 : index
    %get3A_0 = arith.constant 0 : index
    %get3A_1 = vector.load %arg0[%get3A, %get3A_0] : memref<1x256xf32, #tpu.memory_space<vmem>>, vector<1x256xf32>
    %broadcast_in_dim3A = vector.shape_cast %get3A_1 : vector<1x256xf32> to vector<1x1x1x256xf32>
    %broadcast_in_dim3A_2 = vector.shape_cast %broadcast_in_dim3A : vector<1x1x1x256xf32> to vector<1x1x1x256xf32>
    %broadcast_in_dim3A_3 = vector.broadcast %broadcast_in_dim3A_2 : vector<1x1x1x256xf32> to vector<8x64x64x256xf32>
    %swap3A = arith.constant 0 : index
    %swap3A_4 = arith.constant 0 : index
    %swap3A_5 = arith.constant 0 : index
    %swap3A_6 = arith.constant 0 : index
    %swap3A_7 = vector.load %arg2[%swap3A, %swap3A_4, %swap3A_5, %swap3A_6] : memref<8x64x64x256xf32, #tpu.memory_space<vmem>>, vector<8x64x64x256xf32>
    tpu.vector_store %arg2[%swap3A, %swap3A_4, %swap3A_5, %swap3A_6], %broadcast_in_dim3A_3 {strides = array<i32>} : memref<8x64x64x256xf32, #tpu.memory_space<vmem>>, vector<8x64x64x256xf32>,
    %dma_start3A = arith.constant 0 : i32
    %dma_start3A_8 = tpu.memref_slice %arg3[%dma_start3A] : memref<8x!tpu.dma_semaphore, #tpu.memory_space<semaphore_mem>> -> memref<1x!tpu.dma_semaphore, #tpu.memory_space<semaphore_mem>>
    %dma_start3A_9 = tpu.memref_squeeze %dma_start3A_8 : memref<1x!tpu.dma_semaphore, #tpu.memory_space<semaphore_mem>> -> memref<!tpu.dma_semaphore, #tpu.memory_space<semaphore_mem>>
    %dma_start3A_10 = arith.constant 0 : i32
    %dma_start3A_11 = arith.constant 0 : i32
    %dma_start3A_12 = arith.constant 0 : i32
    %dma_start3A_13 = arith.constant 0 : i32
    %dma_start3A_14 = tpu.memref_slice %arg1[%dma_start3A_10, %dma_start3A_11, %dma_start3A_12, %dma_start3A_13] : memref<128x64x64x256xf32, #tpu.memory_space<any>> -> memref<8x64x64x256xf32, #tpu.memory_space<any>>
    tpu.enqueue_dma source(%arg2 : memref<8x64x64x256xf32, #tpu.memory_space<vmem>>) target(%dma_start3A_14 : memref<8x64x64x256xf32, #tpu.memory_space<any>>) target_semaphore(%dma_start3A_9 : memref<!tpu.dma_semaphore, #tpu.memory_space<semaphore_mem>>)
    %dma_start3A_15 = arith.constant 1 : i32
    %dma_start3A_16 = tpu.memref_slice %arg3[%dma_start3A_15] : memref<8x!tpu.dma_semaphore, #tpu.memory_space<semaphore_mem>> -> memref<1x!tpu.dma_semaphore, #tpu.memory_space<semaphore_mem>>
    %dma_start3A_17 = tpu.memref_squeeze %dma_start3A_16 : memref<1x!tpu.dma_semaphore, #tpu.memory_space<semaphore_mem>> -> memref<!tpu.dma_semaphore, #tpu.memory_space<semaphore_mem>>
    %dma_start3A_18 = arith.constant 8 : i32
    %dma_start3A_19 = arith.constant 0 : i32
    %dma_start3A_20 = arith.constant 0 : i32
    %dma_start3A_21 = arith.constant 0 : i32
    %dma_start3A_22 = tpu.memref_slice %arg1[%dma_start3A_18, %dma_start3A_19, %dma_start3A_20, %dma_start3A_21] : memref<128x64x64x256xf32, #tpu.memory_space<any>> -> memref<8x64x64x256xf32, #tpu.memory_space<any>>
    tpu.enqueue_dma source(%arg2 : memref<8x64x64x256xf32, #tpu.memory_space<vmem>>) target(%dma_start3A_22 : memref<8x64x64x256xf32, #tpu.memory_space<any>>) target_semaphore(%dma_start3A_17 : memref<!tpu.dma_semaphore, #tpu.memory_space<semaphore_mem>>)
    %dma_start3A_23 = arith.constant 2 : i32
    %dma_start3A_24 = tpu.memref_slice %arg3[%dma_start3A_23] : memref<8x!tpu.dma_semaphore, #tpu.memory_space<semaphore_mem>> -> memref<1x!tpu.dma_semaphore, #tpu.memory_space<semaphore_mem>>
    %dma_start3A_25 = tpu.memref_squeeze %dma_start3A_24 : memref<1x!tpu.dma_semaphore, #tpu.memory_space<semaphore_mem>> -> memref<!tpu.dma_semaphore, #tpu.memory_space<semaphore_mem>>
    %dma_start3A_26 = arith.constant 16 : i32
    %dma_start3A_27 = arith.constant 0 : i32
    %dma_start3A_28 = arith.constant 0 : i32
    %dma_start3A_29 = arith.constant 0 : i32
    %dma_start3A_30 = tpu.memref_slice %arg1[%dma_start3A_26, %dma_start3A_27, %dma_start3A_28, %dma_start3A_29] : memref<128x64x64x256xf32, #tpu.memory_space<any>> -> memref<8x64x64x256xf32, #tpu.memory_space<any>>
    tpu.enqueue_dma source(%arg2 : memref<8x64x64x256xf32, #tpu.memory_space<vmem>>) target(%dma_start3A_30 : memref<8x64x64x256xf32, #tpu.memory_space<any>>) target_semaphore(%dma_start3A_25 : memref<!tpu.dma_semaphore, #tpu.memory_space<semaphore_mem>>)
    %dma_start3A_31 = arith.constant 3 : i32
    %dma_start3A_32 = tpu.memref_slice %arg3[%dma_start3A_31] : memref<8x!tpu.dma_semaphore, #tpu.memory_space<semaphore_mem>> -> memref<1x!tpu.dma_semaphore, #tpu.memory_space<semaphore_mem>>
    %dma_start3A_33 = tpu.memref_squeeze %dma_start3A_32 : memref<1x!tpu.dma_semaphore, #tpu.memory_space<semaphore_mem>> -> memref<!tpu.dma_semaphore, #tpu.memory_space<semaphore_mem>>
    %dma_start3A_34 = arith.constant 24 : i32
    %dma_start3A_35 = arith.constant 0 : i32
    %dma_start3A_36 = arith.constant 0 : i32
    %dma_start3A_37 = arith.constant 0 : i32
    %dma_start3A_38 = tpu.memref_slice %arg1[%dma_start3A_34, %dma_start3A_35, %dma_start3A_36, %dma_start3A_37] : memref<128x64x64x256xf32, #tpu.memory_space<any>> -> memref<8x64x64x256xf32, #tpu.memory_space<any>>
    tpu.enqueue_dma source(%arg2 : memref<8x64x64x256xf32, #tpu.memory_space<vmem>>) target(%dma_start3A_38 : memref<8x64x64x256xf32, #tpu.memory_space<any>>) target_semaphore(%dma_start3A_33 : memref<!tpu.dma_semaphore, #tpu.memory_space<semaphore_mem>>)
    %dma_start3A_39 = arith.constant 4 : i32
    %dma_start3A_40 = tpu.memref_slice %arg3[%dma_start3A_39] : memref<8x!tpu.dma_semaphore, #tpu.memory_space<semaphore_mem>> -> memref<1x!tpu.dma_semaphore, #tpu.memory_space<semaphore_mem>>
    %dma_start3A_41 = tpu.memref_squeeze %dma_start3A_40 : memref<1x!tpu.dma_semaphore, #tpu.memory_space<semaphore_mem>> -> memref<!tpu.dma_semaphore, #tpu.memory_space<semaphore_mem>>
    %dma_start3A_42 = arith.constant 32 : i32
    %dma_start3A_43 = arith.constant 0 : i32
    %dma_start3A_44 = arith.constant 0 : i32
    %dma_start3A_45 = arith.constant 0 : i32
    %dma_start3A_46 = tpu.memref_slice %arg1[%dma_start3A_42, %dma_start3A_43, %dma_start3A_44, %dma_start3A_45] : memref<128x64x64x256xf32, #tpu.memory_space<any>> -> memref<8x64x64x256xf32, #tpu.memory_space<any>>
    tpu.enqueue_dma source(%arg2 : memref<8x64x64x256xf32, #tpu.memory_space<vmem>>) target(%dma_start3A_46 : memref<8x64x64x256xf32, #tpu.memory_space<any>>) target_semaphore(%dma_start3A_41 : memref<!tpu.dma_semaphore, #tpu.memory_space<semaphore_mem>>)
    %dma_start3A_47 = arith.constant 5 : i32
    %dma_start3A_48 = tpu.memref_slice %arg3[%dma_start3A_47] : memref<8x!tpu.dma_semaphore, #tpu.memory_space<semaphore_mem>> -> memref<1x!tpu.dma_semaphore, #tpu.memory_space<semaphore_mem>>
    %dma_start3A_49 = tpu.memref_squeeze %dma_start3A_48 : memref<1x!tpu.dma_semaphore, #tpu.memory_space<semaphore_mem>> -> memref<!tpu.dma_semaphore, #tpu.memory_space<semaphore_mem>>
    %dma_start3A_50 = arith.constant 40 : i32
    %dma_start3A_51 = arith.constant 0 : i32
    %dma_start3A_52 = arith.constant 0 : i32
    %dma_start3A_53 = arith.constant 0 : i32
    %dma_start3A_54 = tpu.memref_slice %arg1[%dma_start3A_50, %dma_start3A_51, %dma_start3A_52, %dma_start3A_53] : memref<128x64x64x256xf32, #tpu.memory_space<any>> -> memref<8x64x64x256xf32, #tpu.memory_space<any>>
    tpu.enqueue_dma source(%arg2 : memref<8x64x64x256xf32, #tpu.memory_space<vmem>>) target(%dma_start3A_54 : memref<8x64x64x256xf32, #tpu.memory_space<any>>) target_semaphore(%dma_start3A_49 : memref<!tpu.dma_semaphore, #tpu.memory_space<semaphore_mem>>)
    %dma_start3A_55 = arith.constant 6 : i32
    %dma_start3A_56 = tpu.memref_slice %arg3[%dma_start3A_55] : memref<8x!tpu.dma_semaphore, #tpu.memory_space<semaphore_mem>> -> memref<1x!tpu.dma_semaphore, #tpu.memory_space<semaphore_mem>>
    %dma_start3A_57 = tpu.memref_squeeze %dma_start3A_56 : memref<1x!tpu.dma_semaphore, #tpu.memory_space<semaphore_mem>> -> memref<!tpu.dma_semaphore, #tpu.memory_space<semaphore_mem>>
    %dma_start3A_58 = arith.constant 48 : i32
    %dma_start3A_59 = arith.constant 0 : i32
    %dma_start3A_60 = arith.constant 0 : i32
    %dma_start3A_61 = arith.constant 0 : i32
    %dma_start3A_62 = tpu.memref_slice %arg1[%dma_start3A_58, %dma_start3A_59, %dma_start3A_60, %dma_start3A_61] : memref<128x64x64x256xf32, #tpu.memory_space<any>> -> memref<8x64x64x256xf32, #tpu.memory_space<any>>
    tpu.enqueue_dma source(%arg2 : memref<8x64x64x256xf32, #tpu.memory_space<vmem>>) target(%dma_start3A_62 : memref<8x64x64x256xf32, #tpu.memory_space<any>>) target_semaphore(%dma_start3A_57 : memref<!tpu.dma_semaphore, #tpu.memory_space<semaphore_mem>>)
    %dma_start3A_63 = arith.constant 7 : i32
    %dma_start3A_64 = tpu.memref_slice %arg3[%dma_start3A_63] : memref<8x!tpu.dma_semaphore, #tpu.memory_space<semaphore_mem>> -> memref<1x!tpu.dma_semaphore, #tpu.memory_space<semaphore_mem>>
    %dma_start3A_65 = tpu.memref_squeeze %dma_start3A_64 : memref<1x!tpu.dma_semaphore, #tpu.memory_space<semaphore_mem>> -> memref<!tpu.dma_semaphore, #tpu.memory_space<semaphore_mem>>
    %dma_start3A_66 = arith.constant 56 : i32
    %dma_start3A_67 = arith.constant 0 : i32
    %dma_start3A_68 = arith.constant 0 : i32
    %dma_start3A_69 = arith.constant 0 : i32
    %dma_start3A_70 = tpu.memref_slice %arg1[%dma_start3A_66, %dma_start3A_67, %dma_start3A_68, %dma_start3A_69] : memref<128x64x64x256xf32, #tpu.memory_space<any>> -> memref<8x64x64x256xf32, #tpu.memory_space<any>>
    tpu.enqueue_dma source(%arg2 : memref<8x64x64x256xf32, #tpu.memory_space<vmem>>) target(%dma_start3A_70 : memref<8x64x64x256xf32, #tpu.memory_space<any>>) target_semaphore(%dma_start3A_65 : memref<!tpu.dma_semaphore, #tpu.memory_space<semaphore_mem>>)
    %dma_start3A_71 = arith.constant 0 : i32
    %dma_start3A_72 = tpu.memref_slice %arg3[%dma_start3A_71] : memref<8x!tpu.dma_semaphore, #tpu.memory_space<semaphore_mem>> -> memref<1x!tpu.dma_semaphore, #tpu.memory_space<semaphore_mem>>
    %dma_start3A_73 = tpu.memref_squeeze %dma_start3A_72 : memref<1x!tpu.dma_semaphore, #tpu.memory_space<semaphore_mem>> -> memref<!tpu.dma_semaphore, #tpu.memory_space<semaphore_mem>>
    %dma_start3A_74 = arith.constant 64 : i32
    %dma_start3A_75 = arith.constant 0 : i32
    %dma_start3A_76 = arith.constant 0 : i32
    %dma_start3A_77 = arith.constant 0 : i32
    %dma_start3A_78 = tpu.memref_slice %arg1[%dma_start3A_74, %dma_start3A_75, %dma_start3A_76, %dma_start3A_77] : memref<128x64x64x256xf32, #tpu.memory_space<any>> -> memref<8x64x64x256xf32, #tpu.memory_space<any>>
    tpu.enqueue_dma source(%arg2 : memref<8x64x64x256xf32, #tpu.memory_space<vmem>>) target(%dma_start3A_78 : memref<8x64x64x256xf32, #tpu.memory_space<any>>) target_semaphore(%dma_start3A_73 : memref<!tpu.dma_semaphore, #tpu.memory_space<semaphore_mem>>)
    %dma_start3A_79 = arith.constant 1 : i32
    %dma_start3A_80 = tpu.memref_slice %arg3[%dma_start3A_79] : memref<8x!tpu.dma_semaphore, #tpu.memory_space<semaphore_mem>> -> memref<1x!tpu.dma_semaphore, #tpu.memory_space<semaphore_mem>>
    %dma_start3A_81 = tpu.memref_squeeze %dma_start3A_80 : memref<1x!tpu.dma_semaphore, #tpu.memory_space<semaphore_mem>> -> memref<!tpu.dma_semaphore, #tpu.memory_space<semaphore_mem>>
    %dma_start3A_82 = arith.constant 72 : i32
    %dma_start3A_83 = arith.constant 0 : i32
    %dma_start3A_84 = arith.constant 0 : i32
    %dma_start3A_85 = arith.constant 0 : i32
    %dma_start3A_86 = tpu.memref_slice %arg1[%dma_start3A_82, %dma_start3A_83, %dma_start3A_84, %dma_start3A_85] : memref<128x64x64x256xf32, #tpu.memory_space<any>> -> memref<8x64x64x256xf32, #tpu.memory_space<any>>
    tpu.enqueue_dma source(%arg2 : memref<8x64x64x256xf32, #tpu.memory_space<vmem>>) target(%dma_start3A_86 : memref<8x64x64x256xf32, #tpu.memory_space<any>>) target_semaphore(%dma_start3A_81 : memref<!tpu.dma_semaphore, #tpu.memory_space<semaphore_mem>>)
    %dma_start3A_87 = arith.constant 2 : i32
    %dma_start3A_88 = tpu.memref_slice %arg3[%dma_start3A_87] : memref<8x!tpu.dma_semaphore, #tpu.memory_space<semaphore_mem>> -> memref<1x!tpu.dma_semaphore, #tpu.memory_space<semaphore_mem>>
    %dma_start3A_89 = tpu.memref_squeeze %dma_start3A_88 : memref<1x!tpu.dma_semaphore, #tpu.memory_space<semaphore_mem>> -> memref<!tpu.dma_semaphore, #tpu.memory_space<semaphore_mem>>
    %dma_start3A_90 = arith.constant 80 : i32
    %dma_start3A_91 = arith.constant 0 : i32
    %dma_start3A_92 = arith.constant 0 : i32
    %dma_start3A_93 = arith.constant 0 : i32
    %dma_start3A_94 = tpu.memref_slice %arg1[%dma_start3A_90, %dma_start3A_91, %dma_start3A_92, %dma_start3A_93] : memref<128x64x64x256xf32, #tpu.memory_space<any>> -> memref<8x64x64x256xf32, #tpu.memory_space<any>>
    tpu.enqueue_dma source(%arg2 : memref<8x64x64x256xf32, #tpu.memory_space<vmem>>) target(%dma_start3A_94 : memref<8x64x64x256xf32, #tpu.memory_space<any>>) target_semaphore(%dma_start3A_89 : memref<!tpu.dma_semaphore, #tpu.memory_space<semaphore_mem>>)
    %dma_start3A_95 = arith.constant 3 : i32
    %dma_start3A_96 = tpu.memref_slice %arg3[%dma_start3A_95] : memref<8x!tpu.dma_semaphore, #tpu.memory_space<semaphore_mem>> -> memref<1x!tpu.dma_semaphore, #tpu.memory_space<semaphore_mem>>
    %dma_start3A_97 = tpu.memref_squeeze %dma_start3A_96 : memref<1x!tpu.dma_semaphore, #tpu.memory_space<semaphore_mem>> -> memref<!tpu.dma_semaphore, #tpu.memory_space<semaphore_mem>>
    %dma_start3A_98 = arith.constant 88 : i32
    %dma_start3A_99 = arith.constant 0 : i32
    %dma_start3A_100 = arith.constant 0 : i32
    %dma_start3A_101 = arith.constant 0 : i32
    %dma_start3A_102 = tpu.memref_slice %arg1[%dma_start3A_98, %dma_start3A_99, %dma_start3A_100, %dma_start3A_101] : memref<128x64x64x256xf32, #tpu.memory_space<any>> -> memref<8x64x64x256xf32, #tpu.memory_space<any>>
    tpu.enqueue_dma source(%arg2 : memref<8x64x64x256xf32, #tpu.memory_space<vmem>>) target(%dma_start3A_102 : memref<8x64x64x256xf32, #tpu.memory_space<any>>) target_semaphore(%dma_start3A_97 : memref<!tpu.dma_semaphore, #tpu.memory_space<semaphore_mem>>)
    %dma_start3A_103 = arith.constant 4 : i32
    %dma_start3A_104 = tpu.memref_slice %arg3[%dma_start3A_103] : memref<8x!tpu.dma_semaphore, #tpu.memory_space<semaphore_mem>> -> memref<1x!tpu.dma_semaphore, #tpu.memory_space<semaphore_mem>>
    %dma_start3A_105 = tpu.memref_squeeze %dma_start3A_104 : memref<1x!tpu.dma_semaphore, #tpu.memory_space<semaphore_mem>> -> memref<!tpu.dma_semaphore, #tpu.memory_space<semaphore_mem>>
    %dma_start3A_106 = arith.constant 96 : i32
    %dma_start3A_107 = arith.constant 0 : i32
    %dma_start3A_108 = arith.constant 0 : i32
    %dma_start3A_109 = arith.constant 0 : i32
    %dma_start3A_110 = tpu.memref_slice %arg1[%dma_start3A_106, %dma_start3A_107, %dma_start3A_108, %dma_start3A_109] : memref<128x64x64x256xf32, #tpu.memory_space<any>> -> memref<8x64x64x256xf32, #tpu.memory_space<any>>
    tpu.enqueue_dma source(%arg2 : memref<8x64x64x256xf32, #tpu.memory_space<vmem>>) target(%dma_start3A_110 : memref<8x64x64x256xf32, #tpu.memory_space<any>>) target_semaphore(%dma_start3A_105 : memref<!tpu.dma_semaphore, #tpu.memory_space<semaphore_mem>>)
    %dma_start3A_111 = arith.constant 5 : i32
    %dma_start3A_112 = tpu.memref_slice %arg3[%dma_start3A_111] : memref<8x!tpu.dma_semaphore, #tpu.memory_space<semaphore_mem>> -> memref<1x!tpu.dma_semaphore, #tpu.memory_space<semaphore_mem>>
    %dma_start3A_113 = tpu.memref_squeeze %dma_start3A_112 : memref<1x!tpu.dma_semaphore, #tpu.memory_space<semaphore_mem>> -> memref<!tpu.dma_semaphore, #tpu.memory_space<semaphore_mem>>
    %dma_start3A_114 = arith.constant 104 : i32
    %dma_start3A_115 = arith.constant 0 : i32
    %dma_start3A_116 = arith.constant 0 : i32
    %dma_start3A_117 = arith.constant 0 : i32
    %dma_start3A_118 = tpu.memref_slice %arg1[%dma_start3A_114, %dma_start3A_115, %dma_start3A_116, %dma_start3A_117] : memref<128x64x64x256xf32, #tpu.memory_space<any>> -> memref<8x64x64x256xf32, #tpu.memory_space<any>>
    tpu.enqueue_dma source(%arg2 : memref<8x64x64x256xf32, #tpu.memory_space<vmem>>) target(%dma_start3A_118 : memref<8x64x64x256xf32, #tpu.memory_space<any>>) target_semaphore(%dma_start3A_113 : memref<!tpu.dma_semaphore, #tpu.memory_space<semaphore_mem>>)
    %dma_start3A_119 = arith.constant 6 : i32
    %dma_start3A_120 = tpu.memref_slice %arg3[%dma_start3A_119] : memref<8x!tpu.dma_semaphore, #tpu.memory_space<semaphore_mem>> -> memref<1x!tpu.dma_semaphore, #tpu.memory_space<semaphore_mem>>
    %dma_start3A_121 = tpu.memref_squeeze %dma_start3A_120 : memref<1x!tpu.dma_semaphore, #tpu.memory_space<semaphore_mem>> -> memref<!tpu.dma_semaphore, #tpu.memory_space<semaphore_mem>>
    %dma_start3A_122 = arith.constant 112 : i32
    %dma_start3A_123 = arith.constant 0 : i32
    %dma_start3A_124 = arith.constant 0 : i32
    %dma_start3A_125 = arith.constant 0 : i32
    %dma_start3A_126 = tpu.memref_slice %arg1[%dma_start3A_122, %dma_start3A_123, %dma_start3A_124, %dma_start3A_125] : memref<128x64x64x256xf32, #tpu.memory_space<any>> -> memref<8x64x64x256xf32, #tpu.memory_space<any>>
    tpu.enqueue_dma source(%arg2 : memref<8x64x64x256xf32, #tpu.memory_space<vmem>>) target(%dma_start3A_126 : memref<8x64x64x256xf32, #tpu.memory_space<any>>) target_semaphore(%dma_start3A_121 : memref<!tpu.dma_semaphore, #tpu.memory_space<semaphore_mem>>)
    %dma_start3A_127 = arith.constant 7 : i32
    %dma_start3A_128 = tpu.memref_slice %arg3[%dma_start3A_127] : memref<8x!tpu.dma_semaphore, #tpu.memory_space<semaphore_mem>> -> memref<1x!tpu.dma_semaphore, #tpu.memory_space<semaphore_mem>>
    %dma_start3A_129 = tpu.memref_squeeze %dma_start3A_128 : memref<1x!tpu.dma_semaphore, #tpu.memory_space<semaphore_mem>> -> memref<!tpu.dma_semaphore, #tpu.memory_space<semaphore_mem>>
    %dma_start3A_130 = arith.constant 120 : i32
    %dma_start3A_131 = arith.constant 0 : i32
    %dma_start3A_132 = arith.constant 0 : i32
    %dma_start3A_133 = arith.constant 0 : i32
    %dma_start3A_134 = tpu.memref_slice %arg1[%dma_start3A_130, %dma_start3A_131, %dma_start3A_132, %dma_start3A_133] : memref<128x64x64x256xf32, #tpu.memory_space<any>> -> memref<8x64x64x256xf32, #tpu.memory_space<any>>
    tpu.enqueue_dma source(%arg2 : memref<8x64x64x256xf32, #tpu.memory_space<vmem>>) target(%dma_start3A_134 : memref<8x64x64x256xf32, #tpu.memory_space<any>>) target_semaphore(%dma_start3A_129 : memref<!tpu.dma_semaphore, #tpu.memory_space<semaphore_mem>>)
    %dma_wait3A = arith.constant 0 : i32
    %dma_wait3A_135 = tpu.memref_slice %arg3[%dma_wait3A] : memref<8x!tpu.dma_semaphore, #tpu.memory_space<semaphore_mem>> -> memref<1x!tpu.dma_semaphore, #tpu.memory_space<semaphore_mem>>
    %dma_wait3A_136 = tpu.memref_squeeze %dma_wait3A_135 : memref<1x!tpu.dma_semaphore, #tpu.memory_space<semaphore_mem>> -> memref<!tpu.dma_semaphore, #tpu.memory_space<semaphore_mem>>
    %dma_wait3A_137 = arith.constant 0 : i32
    %dma_wait3A_138 = arith.constant 0 : i32
    %dma_wait3A_139 = arith.constant 0 : i32
    %dma_wait3A_140 = arith.constant 0 : i32
    %dma_wait3A_141 = tpu.memref_slice %arg1[%dma_wait3A_137, %dma_wait3A_138, %dma_wait3A_139, %dma_wait3A_140] : memref<128x64x64x256xf32, #tpu.memory_space<any>> -> memref<8x64x64x256xf32, #tpu.memory_space<any>>
    tpu.wait_dma2 semaphore(%dma_wait3A_136 : memref<!tpu.dma_semaphore, #tpu.memory_space<semaphore_mem>>) src(%arg2 : memref<8x64x64x256xf32, #tpu.memory_space<vmem>>) dst(%dma_wait3A_141 : memref<8x64x64x256xf32, #tpu.memory_space<any>>)
    %dma_wait3A_142 = arith.constant 1 : i32
    %dma_wait3A_143 = tpu.memref_slice %arg3[%dma_wait3A_142] : memref<8x!tpu.dma_semaphore, #tpu.memory_space<semaphore_mem>> -> memref<1x!tpu.dma_semaphore, #tpu.memory_space<semaphore_mem>>
    %dma_wait3A_144 = tpu.memref_squeeze %dma_wait3A_143 : memref<1x!tpu.dma_semaphore, #tpu.memory_space<semaphore_mem>> -> memref<!tpu.dma_semaphore, #tpu.memory_space<semaphore_mem>>
    %dma_wait3A_145 = arith.constant 8 : i32
    %dma_wait3A_146 = arith.constant 0 : i32
    %dma_wait3A_147 = arith.constant 0 : i32
    %dma_wait3A_148 = arith.constant 0 : i32
    %dma_wait3A_149 = tpu.memref_slice %arg1[%dma_wait3A_145, %dma_wait3A_146, %dma_wait3A_147, %dma_wait3A_148] : memref<128x64x64x256xf32, #tpu.memory_space<any>> -> memref<8x64x64x256xf32, #tpu.memory_space<any>>
    tpu.wait_dma2 semaphore(%dma_wait3A_144 : memref<!tpu.dma_semaphore, #tpu.memory_space<semaphore_mem>>) src(%arg2 : memref<8x64x64x256xf32, #tpu.memory_space<vmem>>) dst(%dma_wait3A_149 : memref<8x64x64x256xf32, #tpu.memory_space<any>>)
    %dma_wait3A_150 = arith.constant 2 : i32
    %dma_wait3A_151 = tpu.memref_slice %arg3[%dma_wait3A_150] : memref<8x!tpu.dma_semaphore, #tpu.memory_space<semaphore_mem>> -> memref<1x!tpu.dma_semaphore, #tpu.memory_space<semaphore_mem>>
    %dma_wait3A_152 = tpu.memref_squeeze %dma_wait3A_151 : memref<1x!tpu.dma_semaphore, #tpu.memory_space<semaphore_mem>> -> memref<!tpu.dma_semaphore, #tpu.memory_space<semaphore_mem>>
    %dma_wait3A_153 = arith.constant 16 : i32
    %dma_wait3A_154 = arith.constant 0 : i32
    %dma_wait3A_155 = arith.constant 0 : i32
    %dma_wait3A_156 = arith.constant 0 : i32
    %dma_wait3A_157 = tpu.memref_slice %arg1[%dma_wait3A_153, %dma_wait3A_154, %dma_wait3A_155, %dma_wait3A_156] : memref<128x64x64x256xf32, #tpu.memory_space<any>> -> memref<8x64x64x256xf32, #tpu.memory_space<any>>
    tpu.wait_dma2 semaphore(%dma_wait3A_152 : memref<!tpu.dma_semaphore, #tpu.memory_space<semaphore_mem>>) src(%arg2 : memref<8x64x64x256xf32, #tpu.memory_space<vmem>>) dst(%dma_wait3A_157 : memref<8x64x64x256xf32, #tpu.memory_space<any>>)
    %dma_wait3A_158 = arith.constant 3 : i32
    %dma_wait3A_159 = tpu.memref_slice %arg3[%dma_wait3A_158] : memref<8x!tpu.dma_semaphore, #tpu.memory_space<semaphore_mem>> -> memref<1x!tpu.dma_semaphore, #tpu.memory_space<semaphore_mem>>
    %dma_wait3A_160 = tpu.memref_squeeze %dma_wait3A_159 : memref<1x!tpu.dma_semaphore, #tpu.memory_space<semaphore_mem>> -> memref<!tpu.dma_semaphore, #tpu.memory_space<semaphore_mem>>
    %dma_wait3A_161 = arith.constant 24 : i32
    %dma_wait3A_162 = arith.constant 0 : i32
    %dma_wait3A_163 = arith.constant 0 : i32
    %dma_wait3A_164 = arith.constant 0 : i32
    %dma_wait3A_165 = tpu.memref_slice %arg1[%dma_wait3A_161, %dma_wait3A_162, %dma_wait3A_163, %dma_wait3A_164] : memref<128x64x64x256xf32, #tpu.memory_space<any>> -> memref<8x64x64x256xf32, #tpu.memory_space<any>>
    tpu.wait_dma2 semaphore(%dma_wait3A_160 : memref<!tpu.dma_semaphore, #tpu.memory_space<semaphore_mem>>) src(%arg2 : memref<8x64x64x256xf32, #tpu.memory_space<vmem>>) dst(%dma_wait3A_165 : memref<8x64x64x256xf32, #tpu.memory_space<any>>)
    %dma_wait3A_166 = arith.constant 4 : i32
    %dma_wait3A_167 = tpu.memref_slice %arg3[%dma_wait3A_166] : memref<8x!tpu.dma_semaphore, #tpu.memory_space<semaphore_mem>> -> memref<1x!tpu.dma_semaphore, #tpu.memory_space<semaphore_mem>>
    %dma_wait3A_168 = tpu.memref_squeeze %dma_wait3A_167 : memref<1x!tpu.dma_semaphore, #tpu.memory_space<semaphore_mem>> -> memref<!tpu.dma_semaphore, #tpu.memory_space<semaphore_mem>>
    %dma_wait3A_169 = arith.constant 32 : i32
    %dma_wait3A_170 = arith.constant 0 : i32
    %dma_wait3A_171 = arith.constant 0 : i32
    %dma_wait3A_172 = arith.constant 0 : i32
    %dma_wait3A_173 = tpu.memref_slice %arg1[%dma_wait3A_169, %dma_wait3A_170, %dma_wait3A_171, %dma_wait3A_172] : memref<128x64x64x256xf32, #tpu.memory_space<any>> -> memref<8x64x64x256xf32, #tpu.memory_space<any>>
    tpu.wait_dma2 semaphore(%dma_wait3A_168 : memref<!tpu.dma_semaphore, #tpu.memory_space<semaphore_mem>>) src(%arg2 : memref<8x64x64x256xf32, #tpu.memory_space<vmem>>) dst(%dma_wait3A_173 : memref<8x64x64x256xf32, #tpu.memory_space<any>>)
    %dma_wait3A_174 = arith.constant 5 : i32
    %dma_wait3A_175 = tpu.memref_slice %arg3[%dma_wait3A_174] : memref<8x!tpu.dma_semaphore, #tpu.memory_space<semaphore_mem>> -> memref<1x!tpu.dma_semaphore, #tpu.memory_space<semaphore_mem>>
    %dma_wait3A_176 = tpu.memref_squeeze %dma_wait3A_175 : memref<1x!tpu.dma_semaphore, #tpu.memory_space<semaphore_mem>> -> memref<!tpu.dma_semaphore, #tpu.memory_space<semaphore_mem>>
    %dma_wait3A_177 = arith.constant 40 : i32
    %dma_wait3A_178 = arith.constant 0 : i32
    %dma_wait3A_179 = arith.constant 0 : i32
    %dma_wait3A_180 = arith.constant 0 : i32
    %dma_wait3A_181 = tpu.memref_slice %arg1[%dma_wait3A_177, %dma_wait3A_178, %dma_wait3A_179, %dma_wait3A_180] : memref<128x64x64x256xf32, #tpu.memory_space<any>> -> memref<8x64x64x256xf32, #tpu.memory_space<any>>
    tpu.wait_dma2 semaphore(%dma_wait3A_176 : memref<!tpu.dma_semaphore, #tpu.memory_space<semaphore_mem>>) src(%arg2 : memref<8x64x64x256xf32, #tpu.memory_space<vmem>>) dst(%dma_wait3A_181 : memref<8x64x64x256xf32, #tpu.memory_space<any>>)
    %dma_wait3A_182 = arith.constant 6 : i32
    %dma_wait3A_183 = tpu.memref_slice %arg3[%dma_wait3A_182] : memref<8x!tpu.dma_semaphore, #tpu.memory_space<semaphore_mem>> -> memref<1x!tpu.dma_semaphore, #tpu.memory_space<semaphore_mem>>
    %dma_wait3A_184 = tpu.memref_squeeze %dma_wait3A_183 : memref<1x!tpu.dma_semaphore, #tpu.memory_space<semaphore_mem>> -> memref<!tpu.dma_semaphore, #tpu.memory_space<semaphore_mem>>
    %dma_wait3A_185 = arith.constant 48 : i32
    %dma_wait3A_186 = arith.constant 0 : i32
    %dma_wait3A_187 = arith.constant 0 : i32
    %dma_wait3A_188 = arith.constant 0 : i32
    %dma_wait3A_189 = tpu.memref_slice %arg1[%dma_wait3A_185, %dma_wait3A_186, %dma_wait3A_187, %dma_wait3A_188] : memref<128x64x64x256xf32, #tpu.memory_space<any>> -> memref<8x64x64x256xf32, #tpu.memory_space<any>>
    tpu.wait_dma2 semaphore(%dma_wait3A_184 : memref<!tpu.dma_semaphore, #tpu.memory_space<semaphore_mem>>) src(%arg2 : memref<8x64x64x256xf32, #tpu.memory_space<vmem>>) dst(%dma_wait3A_189 : memref<8x64x64x256xf32, #tpu.memory_space<any>>)
    %dma_wait3A_190 = arith.constant 7 : i32
    %dma_wait3A_191 = tpu.memref_slice %arg3[%dma_wait3A_190] : memref<8x!tpu.dma_semaphore, #tpu.memory_space<semaphore_mem>> -> memref<1x!tpu.dma_semaphore, #tpu.memory_space<semaphore_mem>>
    %dma_wait3A_192 = tpu.memref_squeeze %dma_wait3A_191 : memref<1x!tpu.dma_semaphore, #tpu.memory_space<semaphore_mem>> -> memref<!tpu.dma_semaphore, #tpu.memory_space<semaphore_mem>>
    %dma_wait3A_193 = arith.constant 56 : i32
    %dma_wait3A_194 = arith.constant 0 : i32
    %dma_wait3A_195 = arith.constant 0 : i32
    %dma_wait3A_196 = arith.constant 0 : i32
    %dma_wait3A_197 = tpu.memref_slice %arg1[%dma_wait3A_193, %dma_wait3A_194, %dma_wait3A_195, %dma_wait3A_196] : memref<128x64x64x256xf32, #tpu.memory_space<any>> -> memref<8x64x64x256xf32, #tpu.memory_space<any>>
    tpu.wait_dma2 semaphore(%dma_wait3A_192 : memref<!tpu.dma_semaphore, #tpu.memory_space<semaphore_mem>>) src(%arg2 : memref<8x64x64x256xf32, #tpu.memory_space<vmem>>) dst(%dma_wait3A_197 : memref<8x64x64x256xf32, #tpu.memory_space<any>>)
    %dma_wait3A_198 = arith.constant 0 : i32
    %dma_wait3A_199 = tpu.memref_slice %arg3[%dma_wait3A_198] : memref<8x!tpu.dma_semaphore, #tpu.memory_space<semaphore_mem>> -> memref<1x!tpu.dma_semaphore, #tpu.memory_space<semaphore_mem>>
    %dma_wait3A_200 = tpu.memref_squeeze %dma_wait3A_199 : memref<1x!tpu.dma_semaphore, #tpu.memory_space<semaphore_mem>> -> memref<!tpu.dma_semaphore, #tpu.memory_space<semaphore_mem>>
    %dma_wait3A_201 = arith.constant 64 : i32
    %dma_wait3A_202 = arith.constant 0 : i32
    %dma_wait3A_203 = arith.constant 0 : i32
    %dma_wait3A_204 = arith.constant 0 : i32
    %dma_wait3A_205 = tpu.memref_slice %arg1[%dma_wait3A_201, %dma_wait3A_202, %dma_wait3A_203, %dma_wait3A_204] : memref<128x64x64x256xf32, #tpu.memory_space<any>> -> memref<8x64x64x256xf32, #tpu.memory_space<any>>
    tpu.wait_dma2 semaphore(%dma_wait3A_200 : memref<!tpu.dma_semaphore, #tpu.memory_space<semaphore_mem>>) src(%arg2 : memref<8x64x64x256xf32, #tpu.memory_space<vmem>>) dst(%dma_wait3A_205 : memref<8x64x64x256xf32, #tpu.memory_space<any>>)
    %dma_wait3A_206 = arith.constant 1 : i32
    %dma_wait3A_207 = tpu.memref_slice %arg3[%dma_wait3A_206] : memref<8x!tpu.dma_semaphore, #tpu.memory_space<semaphore_mem>> -> memref<1x!tpu.dma_semaphore, #tpu.memory_space<semaphore_mem>>
    %dma_wait3A_208 = tpu.memref_squeeze %dma_wait3A_207 : memref<1x!tpu.dma_semaphore, #tpu.memory_space<semaphore_mem>> -> memref<!tpu.dma_semaphore, #tpu.memory_space<semaphore_mem>>
    %dma_wait3A_209 = arith.constant 72 : i32
    %dma_wait3A_210 = arith.constant 0 : i32
    %dma_wait3A_211 = arith.constant 0 : i32
    %dma_wait3A_212 = arith.constant 0 : i32
    %dma_wait3A_213 = tpu.memref_slice %arg1[%dma_wait3A_209, %dma_wait3A_210, %dma_wait3A_211, %dma_wait3A_212] : memref<128x64x64x256xf32, #tpu.memory_space<any>> -> memref<8x64x64x256xf32, #tpu.memory_space<any>>
    tpu.wait_dma2 semaphore(%dma_wait3A_208 : memref<!tpu.dma_semaphore, #tpu.memory_space<semaphore_mem>>) src(%arg2 : memref<8x64x64x256xf32, #tpu.memory_space<vmem>>) dst(%dma_wait3A_213 : memref<8x64x64x256xf32, #tpu.memory_space<any>>)
    %dma_wait3A_214 = arith.constant 2 : i32
    %dma_wait3A_215 = tpu.memref_slice %arg3[%dma_wait3A_214] : memref<8x!tpu.dma_semaphore, #tpu.memory_space<semaphore_mem>> -> memref<1x!tpu.dma_semaphore, #tpu.memory_space<semaphore_mem>>
    %dma_wait3A_216 = tpu.memref_squeeze %dma_wait3A_215 : memref<1x!tpu.dma_semaphore, #tpu.memory_space<semaphore_mem>> -> memref<!tpu.dma_semaphore, #tpu.memory_space<semaphore_mem>>
    %dma_wait3A_217 = arith.constant 80 : i32
    %dma_wait3A_218 = arith.constant 0 : i32
    %dma_wait3A_219 = arith.constant 0 : i32
    %dma_wait3A_220 = arith.constant 0 : i32
    %dma_wait3A_221 = tpu.memref_slice %arg1[%dma_wait3A_217, %dma_wait3A_218, %dma_wait3A_219, %dma_wait3A_220] : memref<128x64x64x256xf32, #tpu.memory_space<any>> -> memref<8x64x64x256xf32, #tpu.memory_space<any>>
    tpu.wait_dma2 semaphore(%dma_wait3A_216 : memref<!tpu.dma_semaphore, #tpu.memory_space<semaphore_mem>>) src(%arg2 : memref<8x64x64x256xf32, #tpu.memory_space<vmem>>) dst(%dma_wait3A_221 : memref<8x64x64x256xf32, #tpu.memory_space<any>>)
    %dma_wait3A_222 = arith.constant 3 : i32
    %dma_wait3A_223 = tpu.memref_slice %arg3[%dma_wait3A_222] : memref<8x!tpu.dma_semaphore, #tpu.memory_space<semaphore_mem>> -> memref<1x!tpu.dma_semaphore, #tpu.memory_space<semaphore_mem>>
    %dma_wait3A_224 = tpu.memref_squeeze %dma_wait3A_223 : memref<1x!tpu.dma_semaphore, #tpu.memory_space<semaphore_mem>> -> memref<!tpu.dma_semaphore, #tpu.memory_space<semaphore_mem>>
    %dma_wait3A_225 = arith.constant 88 : i32
    %dma_wait3A_226 = arith.constant 0 : i32
    %dma_wait3A_227 = arith.constant 0 : i32
    %dma_wait3A_228 = arith.constant 0 : i32
    %dma_wait3A_229 = tpu.memref_slice %arg1[%dma_wait3A_225, %dma_wait3A_226, %dma_wait3A_227, %dma_wait3A_228] : memref<128x64x64x256xf32, #tpu.memory_space<any>> -> memref<8x64x64x256xf32, #tpu.memory_space<any>>
    tpu.wait_dma2 semaphore(%dma_wait3A_224 : memref<!tpu.dma_semaphore, #tpu.memory_space<semaphore_mem>>) src(%arg2 : memref<8x64x64x256xf32, #tpu.memory_space<vmem>>) dst(%dma_wait3A_229 : memref<8x64x64x256xf32, #tpu.memory_space<any>>)
    %dma_wait3A_230 = arith.constant 4 : i32
    %dma_wait3A_231 = tpu.memref_slice %arg3[%dma_wait3A_230] : memref<8x!tpu.dma_semaphore, #tpu.memory_space<semaphore_mem>> -> memref<1x!tpu.dma_semaphore, #tpu.memory_space<semaphore_mem>>
    %dma_wait3A_232 = tpu.memref_squeeze %dma_wait3A_231 : memref<1x!tpu.dma_semaphore, #tpu.memory_space<semaphore_mem>> -> memref<!tpu.dma_semaphore, #tpu.memory_space<semaphore_mem>>
    %dma_wait3A_233 = arith.constant 96 : i32
    %dma_wait3A_234 = arith.constant 0 : i32
    %dma_wait3A_235 = arith.constant 0 : i32
    %dma_wait3A_236 = arith.constant 0 : i32
    %dma_wait3A_237 = tpu.memref_slice %arg1[%dma_wait3A_233, %dma_wait3A_234, %dma_wait3A_235, %dma_wait3A_236] : memref<128x64x64x256xf32, #tpu.memory_space<any>> -> memref<8x64x64x256xf32, #tpu.memory_space<any>>
    tpu.wait_dma2 semaphore(%dma_wait3A_232 : memref<!tpu.dma_semaphore, #tpu.memory_space<semaphore_mem>>) src(%arg2 : memref<8x64x64x256xf32, #tpu.memory_space<vmem>>) dst(%dma_wait3A_237 : memref<8x64x64x256xf32, #tpu.memory_space<any>>)
    %dma_wait3A_238 = arith.constant 5 : i32
    %dma_wait3A_239 = tpu.memref_slice %arg3[%dma_wait3A_238] : memref<8x!tpu.dma_semaphore, #tpu.memory_space<semaphore_mem>> -> memref<1x!tpu.dma_semaphore, #tpu.memory_space<semaphore_mem>>
    %dma_wait3A_240 = tpu.memref_squeeze %dma_wait3A_239 : memref<1x!tpu.dma_semaphore, #tpu.memory_space<semaphore_mem>> -> memref<!tpu.dma_semaphore, #tpu.memory_space<semaphore_mem>>
    %dma_wait3A_241 = arith.constant 104 : i32
    %dma_wait3A_242 = arith.constant 0 : i32
    %dma_wait3A_243 = arith.constant 0 : i32
    %dma_wait3A_244 = arith.constant 0 : i32
    %dma_wait3A_245 = tpu.memref_slice %arg1[%dma_wait3A_241, %dma_wait3A_242, %dma_wait3A_243, %dma_wait3A_244] : memref<128x64x64x256xf32, #tpu.memory_space<any>> -> memref<8x64x64x256xf32, #tpu.memory_space<any>>
    tpu.wait_dma2 semaphore(%dma_wait3A_240 : memref<!tpu.dma_semaphore, #tpu.memory_space<semaphore_mem>>) src(%arg2 : memref<8x64x64x256xf32, #tpu.memory_space<vmem>>) dst(%dma_wait3A_245 : memref<8x64x64x256xf32, #tpu.memory_space<any>>)
    %dma_wait3A_246 = arith.constant 6 : i32
    %dma_wait3A_247 = tpu.memref_slice %arg3[%dma_wait3A_246] : memref<8x!tpu.dma_semaphore, #tpu.memory_space<semaphore_mem>> -> memref<1x!tpu.dma_semaphore, #tpu.memory_space<semaphore_mem>>
    %dma_wait3A_248 = tpu.memref_squeeze %dma_wait3A_247 : memref<1x!tpu.dma_semaphore, #tpu.memory_space<semaphore_mem>> -> memref<!tpu.dma_semaphore, #tpu.memory_space<semaphore_mem>>
    %dma_wait3A_249 = arith.constant 112 : i32
    %dma_wait3A_250 = arith.constant 0 : i32
    %dma_wait3A_251 = arith.constant 0 : i32
    %dma_wait3A_252 = arith.constant 0 : i32
    %dma_wait3A_253 = tpu.memref_slice %arg1[%dma_wait3A_249, %dma_wait3A_250, %dma_wait3A_251, %dma_wait3A_252] : memref<128x64x64x256xf32, #tpu.memory_space<any>> -> memref<8x64x64x256xf32, #tpu.memory_space<any>>
    tpu.wait_dma2 semaphore(%dma_wait3A_248 : memref<!tpu.dma_semaphore, #tpu.memory_space<semaphore_mem>>) src(%arg2 : memref<8x64x64x256xf32, #tpu.memory_space<vmem>>) dst(%dma_wait3A_253 : memref<8x64x64x256xf32, #tpu.memory_space<any>>)
    %dma_wait3A_254 = arith.constant 7 : i32
    %dma_wait3A_255 = tpu.memref_slice %arg3[%dma_wait3A_254] : memref<8x!tpu.dma_semaphore, #tpu.memory_space<semaphore_mem>> -> memref<1x!tpu.dma_semaphore, #tpu.memory_space<semaphore_mem>>
    %dma_wait3A_256 = tpu.memref_squeeze %dma_wait3A_255 : memref<1x!tpu.dma_semaphore, #tpu.memory_space<semaphore_mem>> -> memref<!tpu.dma_semaphore, #tpu.memory_space<semaphore_mem>>
    %dma_wait3A_257 = arith.constant 120 : i32
    %dma_wait3A_258 = arith.constant 0 : i32
    %dma_wait3A_259 = arith.constant 0 : i32
    %dma_wait3A_260 = arith.constant 0 : i32
    %dma_wait3A_261 = tpu.memref_slice %arg1[%dma_wait3A_257, %dma_wait3A_258, %dma_wait3A_259, %dma_wait3A_260] : memref<128x64x64x256xf32, #tpu.memory_space<any>> -> memref<8x64x64x256xf32, #tpu.memory_space<any>>
    tpu.wait_dma2 semaphore(%dma_wait3A_256 : memref<!tpu.dma_semaphore, #tpu.memory_space<semaphore_mem>>) src(%arg2 : memref<8x64x64x256xf32, #tpu.memory_space<vmem>>) dst(%dma_wait3A_261 : memref<8x64x64x256xf32, #tpu.memory_space<any>>)
    return
  }
}

</mosaic_0001>

<sc_bundles>
// kernel: kernel.5.cloned.1.call-start
scs
__scs_entry_jumppad:
0x0: {  	(pc) =	sbr.rel $0x88, $3  }
0x1: {  	(tag) =	ssettag $0x0;
	lr =	simm.s32 $0x1  }
0x2: {  	[smem:$0x3F9B] =	sst lr;
	_ =	strace $0xD0000000  }
0x3: {  	_ = 	snop  }
0x4: {  	_ = 	snop  }
0x5: {  	_ = 	snop  }
0x6: {  	_ = 	snop  }
0x7: {  	_ = 	snop  }
__scs_overlays_trampoline_lowered:
0x8: {  	[smem:$0x3FAA] =	sst s0  }
0x9: {  	[smem:$0x3FAB] =	sst s1  }
0xa: {  	[smem:$0x3FAC] =	sst s2  }
0xb: {  	[smem:$0x3FAD] =	sst s3  }
0xc: {  	[smem:$0x3FAE] =	sst s4  }
0xd: {  	[smem:$0x3FAF] =	sst s5  }
0xe: {  	[smem:$0x3FB0] =	sst s6  }
0xf: {  	[smem:$0x3FB1] =	sst s7  }
0x10: {  	[smem:$0x3FB2] =	sst s8  }
0x11: {  	[smem:$0x3FB3] =	sst s9;
	s0 =	simm.s32 @!p0 $0x0  }
0x12: {  	s1 =	sld [smem:$0x3F99];
	s0 =	simm.s32 @p0 $0x1  }
0x13: {  	[smem:$0x3FB4] =	sst s0;
	s0 =	simm.s32 @!p1 $0x0  }
0x14: {  	s2 =	sld [smem:$0x3F98];
	s0 =	simm.s32 @p1 $0x1  }
0x15: {  	[smem:$0x3FB5] =	sst s0;
	s0 =	simm.s32 @!p2 $0x0  }
0x16: {  	s3 =	sld [smem:$0x3FDB];
	s0 =	simm.s32 @p2 $0x1  }
0x17: {  	s4 =	simm.s32 $0x1BF5;
	[smem:$0x3FB7] =	sst s0  }
0x18: {  	s0 =	sld [smem:$0x3F9A];
	_ =	swait.ge [sflag:s4], $0x0  }
0x19: {  	s7 =	sld [smem:$0x3F9B]  }
0x1a: {  	s8 =	sadd.s32 $0xFFFFE003, lr  }
0x1b: {  	s9 =	sadd.s32 $0xFFFFFEF7, lr;
	s5 =	simm.s32 $0xFFFFFFFF;
	p2 =	slt.u32 s8, $0xFFFFF086  }
0x1c: {  	p1 =	slt.u32 s9, $0xF7A;
	s5 =	simm.s32 @!p2 $0x0  }
0x1d: {  	s5 =	simm.s32 @p1 $0x1;
	p0 =	seq.s32 s7, s2  }
0x1e: {  	s7 =	smul.u32 @!p0 $0xF7A, s2;
	p2 =	seq.s32 @!p0 s5, $0x0  }
0x1f: {  	s9 =	smul.u32 $0xF7A, s1;
	s8 =	simm.s32 @!p0 $0x1BF5;
	p2 =	por !p2, p0  }
0x20: {  	[sflag:s8] =	ssyncset.s32 @!p0 $0xFFFFF086;
	s6 =	sadd.s32 @!p0 s3, s7;
	s7 =	simm.s32 @!p0 $0x108  }
0x21: {  	s3 =	sadd.s32 s3, s9;
	s6 =	sadd.s32 @!p0 $0x88, s6;
	s7 =	simm.s32 @p2 $0x1082  }
0x22: {  	[simem:s7], [sflag:s8] =	dma.local @!p0 [hbm:s6], $0xF7A  }
0x23: {  	s9 =	sor.u32 $0xD0000000, s2;
	s6 =	simm.s32 $0x108;
	_ =	swait.ge @!p0 [sflag:s8], $0x0  }
0x24: {  	s3 =	sadd.s32 $0x88, s3;
	s6 =	simm.s32 @!p1 $0x1082;
	[sflag:s4] =	ssyncset.s32 $0xFFFFF086  }
0x25: {  	[simem:s6], [sflag:s4] =	dma.local [hbm:s3], $0xF7A  }
0x26: {  	[smem:$0x3F9B] =	sst s1;
	(tag) =	ssettag s2;
	_ =	strace s9  }
0x27: {  	s1 =	sld [smem:$0x3FAB]  }
0x28: {  	s2 =	sld [smem:$0x3FAC]  }
0x29: {  	s4 =	sld [smem:$0x3FAE]  }
0x2a: {  	p0 =	seq.s32 s5, $0x0;
	s5 =	sld [smem:$0x3FAF]  }
0x2b: {  	s6 =	sld [smem:$0x3FB0]  }
0x2c: {  	s7 =	sld [smem:$0x3FB1]  }
0x2d: {  	s3 =	simm.s32 $0x108;
	s8 =	sld [smem:$0x3FB2]  }
0x2e: {  	s3 =	simm.s32 @!p0 $0x1082;
	s9 =	sld [smem:$0x3FB3]  }
0x2f: {  	lr =	sadd.s32 s0, s3;
	s0 =	sld [smem:$0x3FAA]  }
0x30: {  	s3 =	sld [smem:$0x3FAD]  }
0x31: {  	[smem:$0x3FB6] =	sst s10  }
0x32: {  	s10 =	sld [smem:$0x3FB4];
	_ =	sdelay $0x3  }
0x33: {  	p0 =	seq.s32 s10, $0x1;
	s10 =	sld [smem:$0x3FB6];
	_ =	sdelay $0x3  }
0x34: {  	[smem:$0x3FB6] =	sst s10  }
0x35: {  	s10 =	sld [smem:$0x3FB5];
	_ =	sdelay $0x3  }
0x36: {  	p1 =	seq.s32 s10, $0x1;
	s10 =	sld [smem:$0x3FB6];
	_ =	sdelay $0x3  }
0x37: {  	[smem:$0x3FB6] =	sst s10  }
0x38: {  	s10 =	sld [smem:$0x3FB7]  }
0x39: {  	_ = 	snop;
	(pc) =	sbr.ind lr, $3  }
0x3a: {  	_ = 	snop  }
0x3b: {  	_ = 	snop  }
0x3c: {  	p2 =	seq.s32 s10, $0x1;
	s10 =	sld [smem:$0x3FB6]  }
0x3d: {  	_ =	shalt  }
0x3e: {  	_ =	shalt  }
0x3f: {  	_ =	shalt  }
0x40: {  	_ =	shalt  }
0x41: {  	_ =	shalt  }
0x42: {  	_ =	shalt  }
0x43: {  	_ =	shalt  }
0x44: {  	_ =	shalt  }
0x45: {  	_ =	shalt  }
0x46: {  	_ =	shalt  }
0x47: {  	_ =	shalt  }
0x48: {  	_ =	shalt  }
0x49: {  	_ =	shalt  }
0x4a: {  	_ =	shalt  }
0x4b: {  	_ =	shalt  }
0x4c: {  	_ =	shalt  }
0x4d: {  	_ =	shalt  }
0x4e: {  	_ =	shalt  }
0x4f: {  	_ =	shalt  }
0x50: {  	_ =	shalt  }
0x51: {  	_ =	shalt  }
0x52: {  	_ =	shalt  }
0x53: {  	_ =	shalt  }
0x54: {  	_ =	shalt  }
0x55: {  	_ =	shalt  }
0x56: {  	_ =	shalt  }
0x57: {  	_ =	shalt  }
0x58: {  	_ =	shalt  }
0x59: {  	_ =	shalt  }
0x5a: {  	_ =	shalt  }
0x5b: {  	_ =	shalt  }
0x5c: {  	_ =	shalt  }
0x5d: {  	_ =	shalt  }
0x5e: {  	_ =	shalt  }
0x5f: {  	_ =	shalt  }
0x60: {  	_ =	shalt  }
0x61: {  	_ =	shalt  }
0x62: {  	_ =	shalt  }
0x63: {  	_ =	shalt  }
0x64: {  	_ =	shalt  }
0x65: {  	_ =	shalt  }
0x66: {  	_ =	shalt  }
0x67: {  	_ =	shalt  }
0x68: {  	_ =	shalt  }
0x69: {  	_ =	shalt  }
0x6a: {  	_ =	shalt  }
0x6b: {  	_ =	shalt  }
0x6c: {  	_ =	shalt  }
0x6d: {  	_ =	shalt  }
0x6e: {  	_ =	shalt  }
0x6f: {  	_ =	shalt  }
0x70: {  	_ =	shalt  }
0x71: {  	_ =	shalt  }
0x72: {  	_ =	shalt  }
0x73: {  	_ =	shalt  }
0x74: {  	_ =	shalt  }
0x75: {  	_ =	shalt  }
0x76: {  	_ =	shalt  }
0x77: {  	_ =	shalt  }
0x78: {  	_ =	shalt  }
0x79: {  	_ =	shalt  }
0x7a: {  	_ =	shalt  }
0x7b: {  	_ =	shalt  }
0x7c: {  	_ =	shalt  }
0x7d: {  	_ =	shalt  }
0x7e: {  	_ =	shalt  }
0x7f: {  	_ =	shalt  }
0x80: {  	_ =	shalt  }
0x81: {  	_ =	shalt  }
0x82: {  	_ =	shalt  }
0x83: {  	_ =	shalt  }
0x84: {  	_ =	shalt  }
0x85: {  	_ =	shalt  }
0x86: {  	_ =	shalt  }
0x87: {  	_ =	shalt  }
.Lfunc_end0:
.L_simem_size_0:
called_computation_lowered:
.L_overlay_start_0:
0x88: {  	s0 =	sld [smem:$0x3FD9]  }
0x89: {  	s1 =	sld [smem:$0x3FFE];
	_ =	sdelay $0x3  }
0x8a: {  	s0 =	sadd.s32 s1, s0  }
0x8b: {  	[smem:$0x3FC2] =	sst s0  }
0x8c: {  	_ = 	snop  }
0x8d: {  	s0 =	sld [smem:$0x3FD0];
	_ =	sdelay $0x2  }
0x8e: {  	s2 =	simm.s32 $0xA;
	s3 =	simm.s32 $0x10;
	s14 =	sld [smem:$0x3FC5]  }
0x8f: {  	[smem:s3], [sflag:s2] =	dma.local [hbm:s0], $0x1  }
0x90: {  	_ =	swait.eq [sflag:s2], $0x1  }
0x91: {  	[sflag:s2] =	ssyncset.done $0x0  }
0x92: {  	s15 =	sld [smem:$0x10];
	[sflag:s2] =	ssyncadd.s32 $0xFFFFFFFF  }
0x93: {  	s16 =	sld [smem:$0x14];
	(tm) =	ssettm $0x1  }
0x94: {  	s17 =	sld [smem:$0x3FFB];
	_ =	sdelay $0x3  }
0x95: {  	_ =	strace s17  }
0x96: {  	s3 =	sld [smem:$0x3FFC];
	_ =	sdelay $0x3  }
0x97: {  	_ =	strace s3  }
0x98: {  	s3 =	sld [smem:$0x3FFD];
	_ =	sdelay $0x3  }
0x99: {  	_ =	strace s3  }
0x9a: {  	_ =	strace $0x8FFFFFFF  }
0x9b: {  	s18 =	sld [smem:$0x3FDB];
	_ =	sdelay $0x1  }
0x9c: {  	s4 =	simm.s32 $_scs_section_size  }
0x9d: {  	s5 =	simm.s32 $_size__tile_overlayer_lowered;
	s6 =	simm.s32 $_tile_overlayer_lowered  }
0x9e: {  	s21 =	simm.s32 $0x1BFF;
	s20 =	sshll.u32 s6, $0x1;
	s3 =	sadd.s32 s4, s18  }
0x9f: {  	s7 =	simm.s32 $0x0;
	s19 =	sshll.u32 s5, $0x1;
	s5 =	sadd.s32 s20, s3  }
0xa0: {  	[timem:s7], [sflag:s21] =	dma.local [hbm:s5], s19  }
0xa1: {  	_ =	swait.ge [sflag:s21], s19  }
0xa2: {  	s4 =	ssub.s32 $0x0, s19;
	[sflag:s21] =	ssyncset.done $0x0  }
0xa3: {  	[sflag:s21] =	ssyncadd.s32 s4;
	_ =	sdelay $0x1  }
0xa4: {  	s22 =	simm.s32 $0x1B8B  }
0xa5: {  	_ =	swait.ge [sflag:s22], $0x1  }
0xa6: {  	[sflag:s22] =	ssyncset.done $0x0  }
0xa7: {  	s23 =	simm.s32 $0x1B8E;
	[sflag:s22] =	ssyncadd.s32 $0xFFFFFFFF  }
0xa8: {  	s24 =	simm.s32 $execute0_lowered;
	[smem:$0x3FD2] =	sst s23  }
0xa9: {  	s4 =	sshll.u32 s24, $0x1;
	_ =	strace $0x80000046;
	[dreg:$0x1] =	wrdreg $0xFFFFFFFF  }
0xaa: {  	s25 =	simm.s32 $_size_execute0_lowered;
	s3 =	sadd.s32 s3, s4;
	[dreg:$0x0] =	wrdreg $0x0  }
0xab: {  	s4 =	sshll.u32 s25, $0x1;
	[dreg:$0x2] =	wrdreg s3  }
0xac: {  	[dreg:$0x3] =	wrdreg s4  }
0xad: {  	[dreg:$0x4] =	wrdreg $0xC0  }
0xae: {  	_ =	task [dreg:s7], $0x5FFFF  }
0xaf: {  	[dreg:$0x1] =	wrdreg $0xFFFFFFFF  }
0xb0: {  	[dreg:$0x0] =	wrdreg $0x60  }
0xb1: {  	[dreg:$0x2] =	wrdreg s14  }
0xb2: {  	[dreg:$0x3] =	wrdreg s16  }
0xb3: {  	[dreg:$0x4] =	wrdreg s15  }
0xb4: {  	[dreg:$0x5] =	wrdreg $0x9  }
0xb5: {  	_ =	task.clear_ibuf [dreg:s7], $0x6FFFF;
	_ =	strace $0x90000046  }
0xb6: {  	s26 =	simm.s32 $0x9;
	_ =	strace $0x80000048  }
0xb7: {  	_ =	swait.ge [sflag:s26], $0x1  }
0xb8: {  	[sflag:s26] =	ssyncadd.s32 $0xFFFFFFFF  }
0xb9: {  	_ =	strace $0x90000048  }
0xba: {  	_ =	sfence  }
0xbb: {  	s28 =	sld [smem:$0x0];
	_ =	sdelay $0x1  }
0xbc: {  	s29 =	srdreg.scid  }
0xbd: {  	s30 =	sshll.u32 s29, $0xD;
	s31 =	sshrl.u32 s29, $0x2  }
0xbe: {  	s1 =	sand.u32 $0x1, s29;
	s2 =	sand.u32 $0x4000, s30;
	s0 =	sadd.s32 s31, s28  }
0xbf: {  	s1 =	sor.u32 s2, s1;
	s0 =	sshll.u32 s0, $0x11  }
0xc0: {  	s0 =	sor.u32 s0, s1  }
0xc1: {  	s0 =	sadd.s32 $0x8F2B, s0  }
0xc2: {  	[sflag:s0] =	ssyncadd.remote.s32 $0x1  }
0xc3: {  	_ =	sfence.sel $0xFFFF  }
0xc4: {  	[dreg:$0x0] =	wrdreg $0xFFFFFFFF;
	(pc) =	sbr.abs _section_cstart, $3  }
0xc5: {  	[dreg:$0x1] =	wrdreg $0xFFFFFFFF  }
0xc6: {  	_ =	task.clear_ibuf [dreg:s7], $0x2FFFF;
	_ =	strace $0x9FFFFFFF  }
0xc7: {  	(tm) =	ssettm $0x7FFFFFFF  }
tec
execute0_lowered:
.L_overlay_start_1:
0x0: {  	(tag) =	ssettag $0x1  }
0x1: {  	s4 =	rddreg [dreg:$0x0]  }
0x2: {  	s5 =	rddreg [dreg:$0x1]  }
0x3: {  	s2 =	rddreg [dreg:$0x2];
	s1 =	stileid.u32  }
0x4: {  	s0 =	rddreg [dreg:$0x3];
	s3 =	simm.s32 $0x0;
	s6 =	smul.u32 $0x7, s1  }
0x5: {  	[smem:$0x7FF] =	sst s3  }
0x6: {  	s22 =	simm.s32 $0x2;
	_ =	strace $0x80000047;
	s5 =	sadd.s32 s5, s6  }
0x7: {  	[tilespmem:s3], [sflag:$0x2] =	stream.linear.gather [hbm4b:s5+s3], $0x38, $0x38;
	[tilespmem:$0x3880] =	vst v63  }
0x8: {  	_ =	swait.ge [sflag:s22], $0x38  }
0x9: {  	[sflag:s22] =	ssyncset.done $0x0  }
0xa: {  	[sflag:s22] =	ssyncadd.s32 $0xFFFFFFC8  }
0xb: {  	v0 =	vld [tilespmem:$0x0];
	_ =	sdelay $0x4  }
0xc: {  	v1 =	vshll.u32 v0, $0x1  }
0xd: {  	v2 =	vlaneseq.u32;
	v0 =	vand.u32 $0x7, v0;
	v1 =	vand.u32 $0xFFFFFFF0, v1  }
0xe: {  	v60 =	vand.u32 $0x7, v2;
	v3 =	vshrl.u32 v2, $0x3;
	v0 =	vor.u32 v0, v1  }
0xf: {  	v3 =	vmul.u32 $0x8, v3;
	v4 =	vperm.xlane v0, v60  }
0x10: {  	v2 =	vor.u32 $0x8, v2  }
0x11: {  	v0 =	vperm.xlane v0, v2;
	v4 =	vadd.s32 v3, v4;
	_ =	sdelay $0x1  }
0x12: {  	v0 =	vadd.s32 v3, v0;
	_ =	sdelay $0x1  }
0x13: {  	vm0 =	vmmov $0xffff;
	s23 =	simm.s32 $0x80  }
0x14: {  	[tilespmem:s23], [sflag:$0x1] =	stream.indirect_vreg.gather [hbm4b:s4+s3], $0x80, v4, vm0, $0xb8;
	[tilespmem:$0x3880] =	vst v63  }
0x15: {  	s7 =	simm.s32 $0x880  }
0x16: {  	[tilespmem:s7], [sflag:$0x1] =	stream.indirect_vreg.gather [hbm4b:s4+s3], $0x80, v0, vm0, $0xb8;
	[tilespmem:$0x3880] =	vst v63  }
0x17: {  	v0 =	vld [tilespmem:$0x10];
	_ =	sdelay $0x4  }
0x18: {  	v61 =	vshll.u32 v0, $0x1  }
0x19: {  	v0 =	vand.u32 $0x7, v0;
	v4 =	vand.u32 $0xFFFFFFF0, v61  }
0x1a: {  	v0 =	vor.u32 v0, v4  }
0x1b: {  	v4 =	vperm.xlane v0, v60;
	_ =	sdelay $0x1  }
0x1c: {  	v0 =	vperm.xlane v0, v2;
	v4 =	vadd.s32 v3, v4;
	_ =	sdelay $0x1  }
0x1d: {  	v0 =	vadd.s32 v3, v0;
	_ =	sdelay $0x1  }
0x1e: {  	s24 =	simm.s32 $0x1080  }
0x1f: {  	[tilespmem:s24], [sflag:$0x1] =	stream.indirect_vreg.gather [hbm4b:s4+s3], $0x80, v4, vm0, $0xb8;
	[tilespmem:$0x3880] =	vst v63  }
0x20: {  	s25 =	simm.s32 $0x1880  }
0x21: {  	[tilespmem:s25], [sflag:$0x1] =	stream.indirect_vreg.gather [hbm4b:s4+s3], $0x80, v0, vm0, $0xb8;
	[tilespmem:$0x3880] =	vst v63  }
0x22: {  	v0 =	vld [tilespmem:$0x20];
	_ =	sdelay $0x4  }
0x23: {  	v62 =	vshll.u32 v0, $0x1  }
0x24: {  	v0 =	vand.u32 $0x7, v0;
	v4 =	vand.u32 $0xFFFFFFF0, v62  }
0x25: {  	v0 =	vor.u32 v0, v4  }
0x26: {  	v4 =	vperm.xlane v0, v60;
	_ =	sdelay $0x1  }
0x27: {  	v0 =	vperm.xlane v0, v2;
	v4 =	vadd.s32 v3, v4;
	_ =	sdelay $0x1  }
0x28: {  	v0 =	vadd.s32 v3, v0;
	_ =	sdelay $0x1  }
0x29: {  	s26 =	simm.s32 $0x2080  }
0x2a: {  	[tilespmem:s26], [sflag:$0x1] =	stream.indirect_vreg.gather [hbm4b:s4+s3], $0x80, v4, vm0, $0xb8;
	[tilespmem:$0x3880] =	vst v63  }
0x2b: {  	s28 =	simm.s32 $0x2880  }
0x2c: {  	[tilespmem:s28], [sflag:$0x1] =	stream.indirect_vreg.gather [hbm4b:s4+s3], $0x80, v0, vm0, $0xb8;
	[tilespmem:$0x3880] =	vst v63  }
0x2d: {  	v0 =	vld.msk [tilespmem:$0x30], $0xff;
	_ =	sdelay $0x4  }
0x2e: {  	v63 =	vshll.u32 v0, $0x1  }
0x2f: {  	v0 =	vand.u32 $0x7, v0;
	v2 =	vand.u32 $0xFFFFFFF0, v63  }
0x30: {  	v0 =	vor.u32 v0, v2  }
0x31: {  	v0 =	vperm.xlane v0, v60;
	_ =	sdelay $0x1  }
0x32: {  	v0 =	vadd.s32 v3, v0;
	_ =	sdelay $0x3  }
0x33: {  	s29 =	simm.s32 $0x3080;
	s30 =	simm.s32 $0x1  }
0x34: {  	[tilespmem:s29], [sflag:$0x1] =	stream.indirect_vreg.gather [hbm4b:s4+s3], $0x80, v0, vm0, $0xb8;
	[tilespmem:$0x3880] =	vst v63  }
0x35: {  	s31 =	smul.u32 $0x700, s1;
	_ =	swait.ge [sflag:s30], $0x3800  }
0x36: {  	[sflag:s30] =	ssyncset.done $0x0  }
0x37: {  	s2 =	sadd.s32 s2, s31;
	[sflag:s30] =	ssyncadd.s32 $0xFFFFC800  }
0x38: {  	[hbm4b:s2+s3] =	stream.linear.scatter [tilespmem:s23], [sflag:$0x2], $0x3800, $0x38;
	[tilespmem:$0x3880] =	vst v63  }
0x39: {  	_ =	swait.ge [sflag:s22], $0x3800  }
0x3a: {  	[sflag:s22] =	ssyncset.done $0x0  }
0x3b: {  	[sflag:s22] =	ssyncadd.s32 $0xFFFFC800  }
0x3c: {  	_ =	sfence.sel $0x180000  }
0x3d: {  	[bflag:$0x0] =	sbarrier.arrive $0xFFFF  }
0x3e: {  	p0 =	sne.s32 s1, $0x0;
	_ =	strace $0x90000047  }
0x3f: {  	s0 =	sadd.s32 @!p0 $0x100000, s0;
	[bflag:$0x2] =	sbarrier.arrive $0xFFFF  }
0x40: {  	[sflag:s0] =	ssyncadd.tile.s32 @!p0 $0x1;
	_ =	shalt  }
.Lfunc_end2:
_tile_overlayer_lowered:
.L_overlay_start_2:
0x41: {  	(tag) =	ssettag $0x2  }
0x42: {  	s0 =	rddreg [dreg:$0x0];
	s2 =	stileid.u32  }
0x43: {  	s1 =	rddreg [dreg:$0x1];
	p0 =	sne.s32 s2, $0x0  }
0x44: {  	s3 =	rddreg [dreg:$0x2];
	[bflag:$0x3] =	sbarrier.arrive $0xFFFF;
	s2 =	simm.s32 @!p0 $0x1C02  }
0x45: {  	[timem:s3], [sflag:s2] =	dma.local @!p0 [hbm:s0], s1  }
0x46: {  	s0 =	simm.s32 @!p0 $0x2  }
0x47: {  	_ =	swait.ge @!p0 [sflag:s0], s1  }
0x48: {  	s1 =	ssub.s32 @!p0 $0x0, s1;
	[sflag:s0] =	ssyncset.done @!p0 $0x0  }
0x49: {  	[sflag:s0] =	ssyncadd.s32 @!p0 s1  }
0x4a: {  	[bflag:$0x3] =	sbarrier.arrive $0xFFFF  }
0x4b: {  	_ =	shalt  }

</sc_bundles>
